<compile_context>
chip_gen: v7x
topology: tpu7x:2x2x1
jax: 0.10.2.dev20260603
libtpu: 0.0.44.dev20260713+nightly
codegen_flags: <defaults>
</compile_context>

<pallas_src>
import jax
import jax.numpy as jnp
from jax import lax
from jax.experimental import pallas as pl
from jax.experimental.pallas import tpu as pltpu
from jax.experimental.pallas import tpu_sc as plsc

BATCH = 4
SEQ = 8192
HID = 2048
LANES = 16
UNROLL = 4
CHUNKS = SEQ // LANES
HALF_HID = HID // 2
INT_MIN = -2147483648


def _sc_body(hid_hbm, pids_hbm, out_hbm, pids_v, row_v, sem0, semg):
    wid = lax.axis_index("s")
    b = wid
    h0 = 0
    out_slice = out_hbm.at[b, pl.ds(0, 1), pl.ds(h0, HID)]

    cpg = pltpu.async_copy(
        hid_hbm.at[b, pl.ds(SEQ - 1, 1), pl.ds(h0, HID)],
        row_v,
        semg,
    )
    cp0 = pltpu.async_copy(pids_hbm.at[b], pids_v, sem0)
    cpg.wait()
    cpo = pltpu.async_copy(row_v, out_slice, semg)

    lane_iota = lax.iota(jnp.int32, LANES)

    def scan_body(i, carry):
        cur_max, cur_chunk = carry
        for u in range(UNROLL):
            c = i * UNROLL + u
            v = pids_v[pl.ds(c * LANES, LANES)]
            take = v > cur_max
            cur_max = jnp.where(take, v, cur_max)
            cur_chunk = jnp.where(take, c, cur_chunk)
        return (cur_max, cur_chunk)

    cp0.wait()
    cur_max, cur_chunk = lax.fori_loop(
        0, CHUNKS // UNROLL, scan_body,
        (jnp.full((LANES,), INT_MIN, jnp.int32),
         jnp.zeros((LANES,), jnp.int32)),
    )
    cur_idx = cur_chunk * LANES + lane_iota

    gdn = lax.GatherDimensionNumbers(
        offset_dims=(), collapsed_slice_dims=(0,), start_index_map=(0,)
    )
    for s in (8, 4, 2, 1):
        pidx = lane_iota ^ s
        ov = lax.gather(
            cur_max, pidx[:, None], gdn, (1,),
            mode=lax.GatherScatterMode.PROMISE_IN_BOUNDS,
        )
        oi = lax.gather(
            cur_idx, pidx[:, None], gdn, (1,),
            mode=lax.GatherScatterMode.PROMISE_IN_BOUNDS,
        )
        take = (ov > cur_max) | ((ov == cur_max) & (oi < cur_idx))
        cur_max = jnp.where(take, ov, cur_max)
        cur_idx = jnp.where(take, oi, cur_idx)
    idx = cur_idx[0]

    cpo.wait()

    @pl.when(idx != SEQ - 1)
    def _():
        pltpu.sync_copy(
            hid_hbm.at[b, pl.ds(idx, 1), pl.ds(h0, HID)], out_slice
        )


@jax.jit
def _sc_kernel(hidden_states, position_ids):
    return pl.kernel(
        _sc_body,
        mesh=plsc.VectorSubcoreMesh(
            core_axis_name="c", subcore_axis_name="s",
            num_cores=1, num_subcores=BATCH,
        ),
        out_type=jax.ShapeDtypeStruct((BATCH, 1, HID), jnp.float32),
        scratch_types=[
            pltpu.VMEM((SEQ,), jnp.int32),
            pltpu.VMEM((1, HID), jnp.float32),
            pltpu.SemaphoreType.DMA,
            pltpu.SemaphoreType.DMA,
        ],
    )(hidden_states, position_ids)


def kernel(hidden_states, position_ids):
    return _sc_kernel(hidden_states, position_ids)

# --- scband reference (transcript-rebuilt; emitter-appended) ---
"""Pipeline reference for scband-sequence-parallel-test-module-62242666054068 (READ-ONLY COPY).

The authoritative reference and input builder live on the scoring server;
editing this copy changes nothing except your own understanding.
"""

import jax, jax.numpy as jnp
import numpy as np

BATCH = 4
SEQ = 8192
HID = 2048

def setup_inputs(seed: int = 0) -> dict:
    key = jax.random.key(seed)
    hidden_states = jax.random.normal(jax.random.fold_in(key, 0), (BATCH, SEQ, HID), dtype=jnp.float32)
    # position ids: monotonically increasing per row; max is at the last position
    position_ids = jnp.arange(BATCH * SEQ, dtype=jnp.int32).reshape(BATCH, SEQ)
    return {"hidden_states": hidden_states, "position_ids": position_ids}

def reference(hidden_states, position_ids):
    # Faithful translation of cpu_forward (non chunked-prefill path):
    # index = argmax(position_ids, dim=1, keepdim=True); gather last token per sequence.
    index = jnp.argmax(position_ids, axis=1)  # [B], first occurrence of max, matches torch.max indices
    index_expanded = jnp.broadcast_to(index[:, None, None], (hidden_states.shape[0], 1, hidden_states.shape[2]))
    out = jnp.take_along_axis(hidden_states, index_expanded, axis=1)  # [B, 1, H]
    return out

if __name__ == "__main__":
    import jax
    _d = setup_inputs()
    print(jax.jit(kernel)(*tuple(_d.values())))

</pallas_src>

<mosaic_0001>
#map = affine_map<(d0, d1) -> (0, 0, 0)>
#map1 = affine_map<(d0, d1) -> (0, 0)>
module attributes {stable_mosaic.version = 14 : i64} {
  func.func @_sc_body(%arg0: i32, %arg1: i32, %arg2: memref<4x8192x2048xf32, #tpu.memory_space<hbm>>, %arg3: memref<4x8192xi32, #tpu.memory_space<hbm>>, %arg4: memref<4x1x2048xf32, #tpu.memory_space<hbm>>, %arg5: memref<8192xi32, #tpu.memory_space<vmem>>, %arg6: memref<1x2048xf32, #tpu.memory_space<vmem>>, %arg7: memref<!tpu.dma_semaphore, #tpu.memory_space<semaphore_mem>>, %arg8: memref<!tpu.dma_semaphore, #tpu.memory_space<semaphore_mem>>) attributes {dimension_semantics = [#tpu.dimension_semantics<core_parallel>, #tpu.dimension_semantics<subcore_parallel>], iteration_bounds = array<i64: 1, 4>, scalar_prefetch = 0 : i64, scratch_operands = 4 : i64, tpu.core_type = #tpu.core_type<sc_vector_subcore>, window_params = [{transform_indices = #map}, {transform_indices = #map1}, {transform_indices = #map}]} {
    %dma_start3A = arith.constant 8191 : i32
    %dma_start3A_0 = arith.constant 0 : i32
    %dma_start3A_1 = tpu.memref_slice %arg2[%arg1, %dma_start3A, %dma_start3A_0] : memref<4x8192x2048xf32, #tpu.memory_space<hbm>> -> memref<1x1x2048xf32, #tpu.memory_space<hbm>>
    %dma_start3A_2 = tpu.memref_squeeze %dma_start3A_1 : memref<1x1x2048xf32, #tpu.memory_space<hbm>> -> memref<1x2048xf32, #tpu.memory_space<hbm>>
    %dma_start3A_3 = arith.constant 8191 : i32
    %dma_start3A_4 = arith.constant 0 : i32
    %dma_start3A_5 = tpu.memref_slice %arg2[%arg1, %dma_start3A_3, %dma_start3A_4] : memref<4x8192x2048xf32, #tpu.memory_space<hbm>> -> memref<1x1x2048xf32, #tpu.memory_space<hbm>>
    %dma_start3A_6 = tpu.memref_squeeze %dma_start3A_5 : memref<1x1x2048xf32, #tpu.memory_space<hbm>> -> memref<1x2048xf32, #tpu.memory_space<hbm>>
    tpu.enqueue_dma source(%dma_start3A_6 : memref<1x2048xf32, #tpu.memory_space<hbm>>) target(%arg6 : memref<1x2048xf32, #tpu.memory_space<vmem>>) target_semaphore(%arg8 : memref<!tpu.dma_semaphore, #tpu.memory_space<semaphore_mem>>)
    %dma_start3A_7 = arith.constant 0 : i32
    %dma_start3A_8 = tpu.memref_slice %arg3[%arg1, %dma_start3A_7] : memref<4x8192xi32, #tpu.memory_space<hbm>> -> memref<1x8192xi32, #tpu.memory_space<hbm>>
    %dma_start3A_9 = tpu.memref_squeeze %dma_start3A_8 : memref<1x8192xi32, #tpu.memory_space<hbm>> -> memref<8192xi32, #tpu.memory_space<hbm>>
    %dma_start3A_10 = arith.constant 0 : i32
    %dma_start3A_11 = tpu.memref_slice %arg3[%arg1, %dma_start3A_10] : memref<4x8192xi32, #tpu.memory_space<hbm>> -> memref<1x8192xi32, #tpu.memory_space<hbm>>
    %dma_start3A_12 = tpu.memref_squeeze %dma_start3A_11 : memref<1x8192xi32, #tpu.memory_space<hbm>> -> memref<8192xi32, #tpu.memory_space<hbm>>
    tpu.enqueue_dma source(%dma_start3A_12 : memref<8192xi32, #tpu.memory_space<hbm>>) target(%arg5 : memref<8192xi32, #tpu.memory_space<vmem>>) target_semaphore(%arg7 : memref<!tpu.dma_semaphore, #tpu.memory_space<semaphore_mem>>)
    %dma_wait3A = arith.constant 8191 : i32
    %dma_wait3A_13 = arith.constant 0 : i32
    %dma_wait3A_14 = tpu.memref_slice %arg2[%arg1, %dma_wait3A, %dma_wait3A_13] : memref<4x8192x2048xf32, #tpu.memory_space<hbm>> -> memref<1x1x2048xf32, #tpu.memory_space<hbm>>
    %dma_wait3A_15 = tpu.memref_squeeze %dma_wait3A_14 : memref<1x1x2048xf32, #tpu.memory_space<hbm>> -> memref<1x2048xf32, #tpu.memory_space<hbm>>
    %dma_wait3A_16 = arith.constant 8191 : i32
    %dma_wait3A_17 = arith.constant 0 : i32
    %dma_wait3A_18 = tpu.memref_slice %arg2[%arg1, %dma_wait3A_16, %dma_wait3A_17] : memref<4x8192x2048xf32, #tpu.memory_space<hbm>> -> memref<1x1x2048xf32, #tpu.memory_space<hbm>>
    %dma_wait3A_19 = tpu.memref_squeeze %dma_wait3A_18 : memref<1x1x2048xf32, #tpu.memory_space<hbm>> -> memref<1x2048xf32, #tpu.memory_space<hbm>>
    tpu.wait_dma2 semaphore(%arg8 : memref<!tpu.dma_semaphore, #tpu.memory_space<semaphore_mem>>) src(%dma_wait3A_19 : memref<1x2048xf32, #tpu.memory_space<hbm>>) dst(%arg6 : memref<1x2048xf32, #tpu.memory_space<vmem>>)
    %dma_start3A_20 = arith.constant 0 : i32
    %dma_start3A_21 = arith.constant 0 : i32
    %dma_start3A_22 = tpu.memref_slice %arg4[%arg1, %dma_start3A_20, %dma_start3A_21] : memref<4x1x2048xf32, #tpu.memory_space<hbm>> -> memref<1x1x2048xf32, #tpu.memory_space<hbm>>
    %dma_start3A_23 = tpu.memref_squeeze %dma_start3A_22 : memref<1x1x2048xf32, #tpu.memory_space<hbm>> -> memref<1x2048xf32, #tpu.memory_space<hbm>>
    %dma_start3A_24 = arith.constant 0 : i32
    %dma_start3A_25 = arith.constant 0 : i32
    %dma_start3A_26 = tpu.memref_slice %arg4[%arg1, %dma_start3A_24, %dma_start3A_25] : memref<4x1x2048xf32, #tpu.memory_space<hbm>> -> memref<1x1x2048xf32, #tpu.memory_space<hbm>>
    %dma_start3A_27 = tpu.memref_squeeze %dma_start3A_26 : memref<1x1x2048xf32, #tpu.memory_space<hbm>> -> memref<1x2048xf32, #tpu.memory_space<hbm>>
    tpu.enqueue_dma source(%arg6 : memref<1x2048xf32, #tpu.memory_space<vmem>>) target(%dma_start3A_27 : memref<1x2048xf32, #tpu.memory_space<hbm>>) target_semaphore(%arg8 : memref<!tpu.dma_semaphore, #tpu.memory_space<semaphore_mem>>)
    %iota3A = tpu.iota {dimensions = array<i32: 0>} : vector<16xi32>
    %dma_wait3A_28 = arith.constant 0 : i32
    %dma_wait3A_29 = tpu.memref_slice %arg3[%arg1, %dma_wait3A_28] : memref<4x8192xi32, #tpu.memory_space<hbm>> -> memref<1x8192xi32, #tpu.memory_space<hbm>>
    %dma_wait3A_30 = tpu.memref_squeeze %dma_wait3A_29 : memref<1x8192xi32, #tpu.memory_space<hbm>> -> memref<8192xi32, #tpu.memory_space<hbm>>
    %dma_wait3A_31 = arith.constant 0 : i32
    %dma_wait3A_32 = tpu.memref_slice %arg3[%arg1, %dma_wait3A_31] : memref<4x8192xi32, #tpu.memory_space<hbm>> -> memref<1x8192xi32, #tpu.memory_space<hbm>>
    %dma_wait3A_33 = tpu.memref_squeeze %dma_wait3A_32 : memref<1x8192xi32, #tpu.memory_space<hbm>> -> memref<8192xi32, #tpu.memory_space<hbm>>
    tpu.wait_dma2 semaphore(%arg7 : memref<!tpu.dma_semaphore, #tpu.memory_space<semaphore_mem>>) src(%dma_wait3A_33 : memref<8192xi32, #tpu.memory_space<hbm>>) dst(%arg5 : memref<8192xi32, #tpu.memory_space<vmem>>)
    %broadcast_in_dim3A = arith.constant -2147483648 : i32
    %broadcast_in_dim3A_34 = vector.broadcast %broadcast_in_dim3A : i32 to vector<16xi32>
    %broadcast_in_dim3A_35 = arith.constant 0 : i32
    %broadcast_in_dim3A_36 = vector.broadcast %broadcast_in_dim3A_35 : i32 to vector<16xi32>
    %scan3A = arith.constant 0 : i32
    %scan3A_37 = arith.constant 128 : i32
    %scan3A_38 = arith.addi %scan3A, %scan3A_37 : i32
    %scan3A_39 = arith.constant 1 : i32
    %scan3A_40:2 = scf.for %scan3A_110 = %scan3A to %scan3A_38 step %scan3A_39 iter_args(%scan3A_111 = %broadcast_in_dim3A_34, %scan3A_112 = %broadcast_in_dim3A_36) -> (vector<16xi32>, vector<16xi32>)  : i32 {
      %mul3A_113 = arith.constant 4 : i32
      %mul3A_114 = arith.muli %scan3A_110, %mul3A_113 : i32
      %add3A_115 = arith.constant 0 : i32
      %add3A_116 = arith.addi %mul3A_114, %add3A_115 : i32
      %mul3A_117 = arith.constant 16 : i32
      %mul3A_118 = arith.muli %add3A_116, %mul3A_117 : i32
      %get3A = arith.index_cast %mul3A_118 : i32 to index
      %get3A_119 = tpu.vector_load %arg5[%get3A] {strides = array<i32>} : memref<8192xi32, #tpu.memory_space<vmem>>, vector<16xi32>,
      %get3A_120 = vector.shape_cast %get3A_119 : vector<16xi32> to vector<16xi32>
      %gt3A_121 = arith.cmpi sgt, %get3A_120, %scan3A_111 : vector<16xi32>
      %select_n3A_122 = arith.select %gt3A_121, %get3A_120, %scan3A_111 : vector<16xi1>, vector<16xi32>
      %broadcast_in_dim3A_123 = vector.broadcast %add3A_116 : i32 to vector<16xi32>
      %select_n3A_124 = arith.select %gt3A_121, %broadcast_in_dim3A_123, %scan3A_112 : vector<16xi1>, vector<16xi32>
      %mul3A_125 = arith.constant 4 : i32
      %mul3A_126 = arith.muli %scan3A_110, %mul3A_125 : i32
      %add3A_127 = arith.constant 1 : i32
      %add3A_128 = arith.addi %mul3A_126, %add3A_127 : i32
      %mul3A_129 = arith.constant 16 : i32
      %mul3A_130 = arith.muli %add3A_128, %mul3A_129 : i32
      %get3A_131 = arith.index_cast %mul3A_130 : i32 to index
      %get3A_132 = tpu.vector_load %arg5[%get3A_131] {strides = array<i32>} : memref<8192xi32, #tpu.memory_space<vmem>>, vector<16xi32>,
      %get3A_133 = vector.shape_cast %get3A_132 : vector<16xi32> to vector<16xi32>
      %gt3A_134 = arith.cmpi sgt, %get3A_133, %select_n3A_122 : vector<16xi32>
      %select_n3A_135 = arith.select %gt3A_134, %get3A_133, %select_n3A_122 : vector<16xi1>, vector<16xi32>
      %broadcast_in_dim3A_136 = vector.broadcast %add3A_128 : i32 to vector<16xi32>
      %select_n3A_137 = arith.select %gt3A_134, %broadcast_in_dim3A_136, %select_n3A_124 : vector<16xi1>, vector<16xi32>
      %mul3A_138 = arith.constant 4 : i32
      %mul3A_139 = arith.muli %scan3A_110, %mul3A_138 : i32
      %add3A_140 = arith.constant 2 : i32
      %add3A_141 = arith.addi %mul3A_139, %add3A_140 : i32
      %mul3A_142 = arith.constant 16 : i32
      %mul3A_143 = arith.muli %add3A_141, %mul3A_142 : i32
      %get3A_144 = arith.index_cast %mul3A_143 : i32 to index
      %get3A_145 = tpu.vector_load %arg5[%get3A_144] {strides = array<i32>} : memref<8192xi32, #tpu.memory_space<vmem>>, vector<16xi32>,
      %get3A_146 = vector.shape_cast %get3A_145 : vector<16xi32> to vector<16xi32>
      %gt3A_147 = arith.cmpi sgt, %get3A_146, %select_n3A_135 : vector<16xi32>
      %select_n3A_148 = arith.select %gt3A_147, %get3A_146, %select_n3A_135 : vector<16xi1>, vector<16xi32>
      %broadcast_in_dim3A_149 = vector.broadcast %add3A_141 : i32 to vector<16xi32>
      %select_n3A_150 = arith.select %gt3A_147, %broadcast_in_dim3A_149, %select_n3A_137 : vector<16xi1>, vector<16xi32>
      %mul3A_151 = arith.constant 4 : i32
      %mul3A_152 = arith.muli %scan3A_110, %mul3A_151 : i32
      %add3A_153 = arith.constant 3 : i32
      %add3A_154 = arith.addi %mul3A_152, %add3A_153 : i32
      %mul3A_155 = arith.constant 16 : i32
      %mul3A_156 = arith.muli %add3A_154, %mul3A_155 : i32
      %get3A_157 = arith.index_cast %mul3A_156 : i32 to index
      %get3A_158 = tpu.vector_load %arg5[%get3A_157] {strides = array<i32>} : memref<8192xi32, #tpu.memory_space<vmem>>, vector<16xi32>,
      %get3A_159 = vector.shape_cast %get3A_158 : vector<16xi32> to vector<16xi32>
      %gt3A_160 = arith.cmpi sgt, %get3A_159, %select_n3A_148 : vector<16xi32>
      %select_n3A_161 = arith.select %gt3A_160, %get3A_159, %select_n3A_148 : vector<16xi1>, vector<16xi32>
      %broadcast_in_dim3A_162 = vector.broadcast %add3A_154 : i32 to vector<16xi32>
      %select_n3A_163 = arith.select %gt3A_160, %broadcast_in_dim3A_162, %select_n3A_150 : vector<16xi1>, vector<16xi32>
      scf.yield %select_n3A_161, %select_n3A_163 : vector<16xi32>, vector<16xi32>
    }
    %scan3A_41 = arith.constant 128 : i32
    %mul3A = arith.constant 16 : i32
    %mul3A_42 = vector.broadcast %mul3A : i32 to vector<16xi32>
    %mul3A_43 = arith.muli %scan3A_40#1, %mul3A_42 : vector<16xi32>
    %add3A = arith.addi %mul3A_43, %iota3A : vector<16xi32>
    %xor3A = arith.constant 8 : i32
    %xor3A_44 = vector.broadcast %xor3A : i32 to vector<16xi32>
    %xor3A_45 = arith.xori %iota3A, %xor3A_44 : vector<16xi32>
    %broadcast_in_dim3A_46 = vector.shape_cast %xor3A_45 : vector<16xi32> to vector<16x1xi32>
    %gather3A = vector.shape_cast %broadcast_in_dim3A_46 : vector<16x1xi32> to vector<16xi32>
    %gather3A_47 = tpu.dynamic_gather %scan3A_40#0[%gather3A] in [0] : vector<16xi32>, vector<16xi32> -> vector<16xi32>
    %broadcast_in_dim3A_48 = vector.shape_cast %xor3A_45 : vector<16xi32> to vector<16x1xi32>
    %gather3A_49 = vector.shape_cast %broadcast_in_dim3A_48 : vector<16x1xi32> to vector<16xi32>
    %gather3A_50 = tpu.dynamic_gather %add3A[%gather3A_49] in [0] : vector<16xi32>, vector<16xi32> -> vector<16xi32>
    %gt3A = arith.cmpi sgt, %gather3A_47, %scan3A_40#0 : vector<16xi32>
    %eq3A = arith.cmpi eq, %gather3A_47, %scan3A_40#0 : vector<16xi32>
    %lt3A = arith.cmpi slt, %gather3A_50, %add3A : vector<16xi32>
    %and3A = arith.andi %eq3A, %lt3A : vector<16xi1>
    %or3A = arith.ori %gt3A, %and3A : vector<16xi1>
    %select_n3A = arith.select %or3A, %gather3A_47, %scan3A_40#0 : vector<16xi1>, vector<16xi32>
    %select_n3A_51 = arith.select %or3A, %gather3A_50, %add3A : vector<16xi1>, vector<16xi32>
    %xor3A_52 = arith.constant 4 : i32
    %xor3A_53 = vector.broadcast %xor3A_52 : i32 to vector<16xi32>
    %xor3A_54 = arith.xori %iota3A, %xor3A_53 : vector<16xi32>
    %broadcast_in_dim3A_55 = vector.shape_cast %xor3A_54 : vector<16xi32> to vector<16x1xi32>
    %gather3A_56 = vector.shape_cast %broadcast_in_dim3A_55 : vector<16x1xi32> to vector<16xi32>
    %gather3A_57 = tpu.dynamic_gather %select_n3A[%gather3A_56] in [0] : vector<16xi32>, vector<16xi32> -> vector<16xi32>
    %broadcast_in_dim3A_58 = vector.shape_cast %xor3A_54 : vector<16xi32> to vector<16x1xi32>
    %gather3A_59 = vector.shape_cast %broadcast_in_dim3A_58 : vector<16x1xi32> to vector<16xi32>
    %gather3A_60 = tpu.dynamic_gather %select_n3A_51[%gather3A_59] in [0] : vector<16xi32>, vector<16xi32> -> vector<16xi32>
    %gt3A_61 = arith.cmpi sgt, %gather3A_57, %select_n3A : vector<16xi32>
    %eq3A_62 = arith.cmpi eq, %gather3A_57, %select_n3A : vector<16xi32>
    %lt3A_63 = arith.cmpi slt, %gather3A_60, %select_n3A_51 : vector<16xi32>
    %and3A_64 = arith.andi %eq3A_62, %lt3A_63 : vector<16xi1>
    %or3A_65 = arith.ori %gt3A_61, %and3A_64 : vector<16xi1>
    %select_n3A_66 = arith.select %or3A_65, %gather3A_57, %select_n3A : vector<16xi1>, vector<16xi32>
    %select_n3A_67 = arith.select %or3A_65, %gather3A_60, %select_n3A_51 : vector<16xi1>, vector<16xi32>
    %xor3A_68 = arith.constant 2 : i32
    %xor3A_69 = vector.broadcast %xor3A_68 : i32 to vector<16xi32>
    %xor3A_70 = arith.xori %iota3A, %xor3A_69 : vector<16xi32>
    %broadcast_in_dim3A_71 = vector.shape_cast %xor3A_70 : vector<16xi32> to vector<16x1xi32>
    %gather3A_72 = vector.shape_cast %broadcast_in_dim3A_71 : vector<16x1xi32> to vector<16xi32>
    %gather3A_73 = tpu.dynamic_gather %select_n3A_66[%gather3A_72] in [0] : vector<16xi32>, vector<16xi32> -> vector<16xi32>
    %broadcast_in_dim3A_74 = vector.shape_cast %xor3A_70 : vector<16xi32> to vector<16x1xi32>
    %gather3A_75 = vector.shape_cast %broadcast_in_dim3A_74 : vector<16x1xi32> to vector<16xi32>
    %gather3A_76 = tpu.dynamic_gather %select_n3A_67[%gather3A_75] in [0] : vector<16xi32>, vector<16xi32> -> vector<16xi32>
    %gt3A_77 = arith.cmpi sgt, %gather3A_73, %select_n3A_66 : vector<16xi32>
    %eq3A_78 = arith.cmpi eq, %gather3A_73, %select_n3A_66 : vector<16xi32>
    %lt3A_79 = arith.cmpi slt, %gather3A_76, %select_n3A_67 : vector<16xi32>
    %and3A_80 = arith.andi %eq3A_78, %lt3A_79 : vector<16xi1>
    %or3A_81 = arith.ori %gt3A_77, %and3A_80 : vector<16xi1>
    %select_n3A_82 = arith.select %or3A_81, %gather3A_73, %select_n3A_66 : vector<16xi1>, vector<16xi32>
    %select_n3A_83 = arith.select %or3A_81, %gather3A_76, %select_n3A_67 : vector<16xi1>, vector<16xi32>
    %xor3A_84 = arith.constant 1 : i32
    %xor3A_85 = vector.broadcast %xor3A_84 : i32 to vector<16xi32>
    %xor3A_86 = arith.xori %iota3A, %xor3A_85 : vector<16xi32>
    %broadcast_in_dim3A_87 = vector.shape_cast %xor3A_86 : vector<16xi32> to vector<16x1xi32>
    %gather3A_88 = vector.shape_cast %broadcast_in_dim3A_87 : vector<16x1xi32> to vector<16xi32>
    %gather3A_89 = tpu.dynamic_gather %select_n3A_82[%gather3A_88] in [0] : vector<16xi32>, vector<16xi32> -> vector<16xi32>
    %broadcast_in_dim3A_90 = vector.shape_cast %xor3A_86 : vector<16xi32> to vector<16x1xi32>
    %gather3A_91 = vector.shape_cast %broadcast_in_dim3A_90 : vector<16x1xi32> to vector<16xi32>
    %gather3A_92 = tpu.dynamic_gather %select_n3A_83[%gather3A_91] in [0] : vector<16xi32>, vector<16xi32> -> vector<16xi32>
    %gt3A_93 = arith.cmpi sgt, %gather3A_89, %select_n3A_82 : vector<16xi32>
    %eq3A_94 = arith.cmpi eq, %gather3A_89, %select_n3A_82 : vector<16xi32>
    %lt3A_95 = arith.cmpi slt, %gather3A_92, %select_n3A_83 : vector<16xi32>
    %and3A_96 = arith.andi %eq3A_94, %lt3A_95 : vector<16xi1>
    %or3A_97 = arith.ori %gt3A_93, %and3A_96 : vector<16xi1>
    %select_n3A_98 = arith.select %or3A_97, %gather3A_89, %select_n3A_82 : vector<16xi1>, vector<16xi32>
    %select_n3A_99 = arith.select %or3A_97, %gather3A_92, %select_n3A_83 : vector<16xi1>, vector<16xi32>
    %slice3A = vector.extract_strided_slice %select_n3A_99 {offsets = [0], sizes = [1], strides = [1]} : vector<16xi32> to vector<1xi32>
    %squeeze3A = vector.extract %slice3A[0] : i32 from vector<1xi32>
    %dma_wait3A_100 = arith.constant 0 : i32
    %dma_wait3A_101 = arith.constant 0 : i32
    %dma_wait3A_102 = tpu.memref_slice %arg4[%arg1, %dma_wait3A_100, %dma_wait3A_101] : memref<4x1x2048xf32, #tpu.memory_space<hbm>> -> memref<1x1x2048xf32, #tpu.memory_space<hbm>>
    %dma_wait3A_103 = tpu.memref_squeeze %dma_wait3A_102 : memref<1x1x2048xf32, #tpu.memory_space<hbm>> -> memref<1x2048xf32, #tpu.memory_space<hbm>>
    %dma_wait3A_104 = arith.constant 0 : i32
    %dma_wait3A_105 = arith.constant 0 : i32
    %dma_wait3A_106 = tpu.memref_slice %arg4[%arg1, %dma_wait3A_104, %dma_wait3A_105] : memref<4x1x2048xf32, #tpu.memory_space<hbm>> -> memref<1x1x2048xf32, #tpu.memory_space<hbm>>
    %dma_wait3A_107 = tpu.memref_squeeze %dma_wait3A_106 : memref<1x1x2048xf32, #tpu.memory_space<hbm>> -> memref<1x2048xf32, #tpu.memory_space<hbm>>
    tpu.wait_dma2 semaphore(%arg8 : memref<!tpu.dma_semaphore, #tpu.memory_space<semaphore_mem>>) src(%arg6 : memref<1x2048xf32, #tpu.memory_space<vmem>>) dst(%dma_wait3A_107 : memref<1x2048xf32, #tpu.memory_space<hbm>>)
    %ne3A = arith.constant 8191 : i32
    %ne3A_108 = arith.cmpi ne, %squeeze3A, %ne3A : i32
    %convert_element_type3A = arith.extui %ne3A_108 : i1 to i32
    %cond3A = arith.constant 0 : i32
    %cond3A_109 = arith.cmpi ne, %convert_element_type3A, %cond3A : i32
    scf.if %cond3A_109 {
      "tpu.region"() ({
        %run_scoped3A = tpu.sem_alloc : memref<!tpu.dma_semaphore, #tpu.memory_space<semaphore_mem>>
        %dma_start3A_110 = arith.constant 0 : i32
        %dma_start3A_111 = arith.constant 0 : i32
        %dma_start3A_112 = tpu.memref_slice %arg4[%arg1, %dma_start3A_110, %dma_start3A_111] : memref<4x1x2048xf32, #tpu.memory_space<hbm>> -> memref<1x1x2048xf32, #tpu.memory_space<hbm>>
        %dma_start3A_113 = tpu.memref_squeeze %dma_start3A_112 : memref<1x1x2048xf32, #tpu.memory_space<hbm>> -> memref<1x2048xf32, #tpu.memory_space<hbm>>
        %dma_start3A_114 = arith.constant 0 : i32
        %dma_start3A_115 = tpu.memref_slice %arg2[%arg1, %squeeze3A, %dma_start3A_114] : memref<4x8192x2048xf32, #tpu.memory_space<hbm>> -> memref<1x1x2048xf32, #tpu.memory_space<hbm>>
        %dma_start3A_116 = tpu.memref_squeeze %dma_start3A_115 : memref<1x1x2048xf32, #tpu.memory_space<hbm>> -> memref<1x2048xf32, #tpu.memory_space<hbm>>
        tpu.enqueue_dma source(%dma_start3A_116 : memref<1x2048xf32, #tpu.memory_space<hbm>>) target(%dma_start3A_113 : memref<1x2048xf32, #tpu.memory_space<hbm>>) target_semaphore(%run_scoped3A : memref<!tpu.dma_semaphore, #tpu.memory_space<semaphore_mem>>)
        %dma_wait3A_117 = arith.constant 0 : i32
        %dma_wait3A_118 = arith.constant 0 : i32
        %dma_wait3A_119 = tpu.memref_slice %arg4[%arg1, %dma_wait3A_117, %dma_wait3A_118] : memref<4x1x2048xf32, #tpu.memory_space<hbm>> -> memref<1x1x2048xf32, #tpu.memory_space<hbm>>
        %dma_wait3A_120 = tpu.memref_squeeze %dma_wait3A_119 : memref<1x1x2048xf32, #tpu.memory_space<hbm>> -> memref<1x2048xf32, #tpu.memory_space<hbm>>
        %dma_wait3A_121 = arith.constant 0 : i32
        %dma_wait3A_122 = tpu.memref_slice %arg2[%arg1, %squeeze3A, %dma_wait3A_121] : memref<4x8192x2048xf32, #tpu.memory_space<hbm>> -> memref<1x1x2048xf32, #tpu.memory_space<hbm>>
        %dma_wait3A_123 = tpu.memref_squeeze %dma_wait3A_122 : memref<1x1x2048xf32, #tpu.memory_space<hbm>> -> memref<1x2048xf32, #tpu.memory_space<hbm>>
        tpu.wait_dma2 semaphore(%run_scoped3A : memref<!tpu.dma_semaphore, #tpu.memory_space<semaphore_mem>>) src(%dma_wait3A_123 : memref<1x2048xf32, #tpu.memory_space<hbm>>) dst(%dma_wait3A_120 : memref<1x2048xf32, #tpu.memory_space<hbm>>)
        tpu.yield
      }) : () -> ()
    } else {
    }
    return
  }
}

</mosaic_0001>

<sc_bundles>
// kernel: _sc_kernel.3.cloned.1.call-start
scs
__scs_entry_jumppad:
0x0: {  	(pc) =	sbr.rel $0x88, $3  }
0x1: {  	(tag) =	ssettag $0x0;
	lr =	simm.s32 $0x1  }
0x2: {  	[smem:$0x3F9F] =	sst lr;
	_ =	strace $0xD0000000  }
0x3: {  	_ = 	snop  }
0x4: {  	_ = 	snop  }
0x5: {  	_ = 	snop  }
0x6: {  	_ = 	snop  }
0x7: {  	_ = 	snop  }
__scs_overlays_trampoline_lowered:
0x8: {  	[smem:$0x3FAE] =	sst s0  }
0x9: {  	[smem:$0x3FAF] =	sst s1  }
0xa: {  	[smem:$0x3FB0] =	sst s2  }
0xb: {  	[smem:$0x3FB1] =	sst s3  }
0xc: {  	[smem:$0x3FB2] =	sst s4  }
0xd: {  	[smem:$0x3FB3] =	sst s5  }
0xe: {  	[smem:$0x3FB4] =	sst s6  }
0xf: {  	[smem:$0x3FB5] =	sst s7  }
0x10: {  	[smem:$0x3FB6] =	sst s8  }
0x11: {  	[smem:$0x3FB7] =	sst s9;
	s0 =	simm.s32 @!p0 $0x0  }
0x12: {  	s1 =	sld [smem:$0x3F9D];
	s0 =	simm.s32 @p0 $0x1  }
0x13: {  	[smem:$0x3FB8] =	sst s0;
	s0 =	simm.s32 @!p1 $0x0  }
0x14: {  	s2 =	sld [smem:$0x3F9C];
	s0 =	simm.s32 @p1 $0x1  }
0x15: {  	[smem:$0x3FB9] =	sst s0;
	s0 =	simm.s32 @!p2 $0x0  }
0x16: {  	s3 =	sld [smem:$0x3FDB];
	s0 =	simm.s32 @p2 $0x1  }
0x17: {  	s4 =	simm.s32 $0x1BF5;
	[smem:$0x3FBB] =	sst s0  }
0x18: {  	s0 =	sld [smem:$0x3F9E];
	_ =	swait.ge [sflag:s4], $0x0  }
0x19: {  	s7 =	sld [smem:$0x3F9F]  }
0x1a: {  	s8 =	sadd.s32 $0xFFFFE003, lr  }
0x1b: {  	s9 =	sadd.s32 $0xFFFFFEF7, lr;
	s5 =	simm.s32 $0xFFFFFFFF;
	p2 =	slt.u32 s8, $0xFFFFF086  }
0x1c: {  	p1 =	slt.u32 s9, $0xF7A;
	s5 =	simm.s32 @!p2 $0x0  }
0x1d: {  	s5 =	simm.s32 @p1 $0x1;
	p0 =	seq.s32 s7, s2  }
0x1e: {  	s7 =	smul.u32 @!p0 $0xF7A, s2;
	p2 =	seq.s32 @!p0 s5, $0x0  }
0x1f: {  	s9 =	smul.u32 $0xF7A, s1;
	s8 =	simm.s32 @!p0 $0x1BF5;
	p2 =	por !p2, p0  }
0x20: {  	[sflag:s8] =	ssyncset.s32 @!p0 $0xFFFFF086;
	s6 =	sadd.s32 @!p0 s3, s7;
	s7 =	simm.s32 @!p0 $0x108  }
0x21: {  	s3 =	sadd.s32 s3, s9;
	s6 =	sadd.s32 @!p0 $0x88, s6;
	s7 =	simm.s32 @p2 $0x1082  }
0x22: {  	[simem:s7], [sflag:s8] =	dma.local @!p0 [hbm:s6], $0xF7A  }
0x23: {  	s9 =	sor.u32 $0xD0000000, s2;
	s6 =	simm.s32 $0x108;
	_ =	swait.ge @!p0 [sflag:s8], $0x0  }
0x24: {  	s3 =	sadd.s32 $0x88, s3;
	s6 =	simm.s32 @!p1 $0x1082;
	[sflag:s4] =	ssyncset.s32 $0xFFFFF086  }
0x25: {  	[simem:s6], [sflag:s4] =	dma.local [hbm:s3], $0xF7A  }
0x26: {  	[smem:$0x3F9F] =	sst s1;
	(tag) =	ssettag s2;
	_ =	strace s9  }
0x27: {  	s1 =	sld [smem:$0x3FAF]  }
0x28: {  	s2 =	sld [smem:$0x3FB0]  }
0x29: {  	s4 =	sld [smem:$0x3FB2]  }
0x2a: {  	p0 =	seq.s32 s5, $0x0;
	s5 =	sld [smem:$0x3FB3]  }
0x2b: {  	s6 =	sld [smem:$0x3FB4]  }
0x2c: {  	s7 =	sld [smem:$0x3FB5]  }
0x2d: {  	s3 =	simm.s32 $0x108;
	s8 =	sld [smem:$0x3FB6]  }
0x2e: {  	s3 =	simm.s32 @!p0 $0x1082;
	s9 =	sld [smem:$0x3FB7]  }
0x2f: {  	lr =	sadd.s32 s0, s3;
	s0 =	sld [smem:$0x3FAE]  }
0x30: {  	s3 =	sld [smem:$0x3FB1]  }
0x31: {  	[smem:$0x3FBA] =	sst s10  }
0x32: {  	s10 =	sld [smem:$0x3FB8];
	_ =	sdelay $0x3  }
0x33: {  	p0 =	seq.s32 s10, $0x1;
	s10 =	sld [smem:$0x3FBA];
	_ =	sdelay $0x3  }
0x34: {  	[smem:$0x3FBA] =	sst s10  }
0x35: {  	s10 =	sld [smem:$0x3FB9];
	_ =	sdelay $0x3  }
0x36: {  	p1 =	seq.s32 s10, $0x1;
	s10 =	sld [smem:$0x3FBA];
	_ =	sdelay $0x3  }
0x37: {  	[smem:$0x3FBA] =	sst s10  }
0x38: {  	s10 =	sld [smem:$0x3FBB]  }
0x39: {  	_ = 	snop;
	(pc) =	sbr.ind lr, $3  }
0x3a: {  	_ = 	snop  }
0x3b: {  	_ = 	snop  }
0x3c: {  	p2 =	seq.s32 s10, $0x1;
	s10 =	sld [smem:$0x3FBA]  }
0x3d: {  	_ =	shalt  }
0x3e: {  	_ =	shalt  }
0x3f: {  	_ =	shalt  }
0x40: {  	_ =	shalt  }
0x41: {  	_ =	shalt  }
0x42: {  	_ =	shalt  }
0x43: {  	_ =	shalt  }
0x44: {  	_ =	shalt  }
0x45: {  	_ =	shalt  }
0x46: {  	_ =	shalt  }
0x47: {  	_ =	shalt  }
0x48: {  	_ =	shalt  }
0x49: {  	_ =	shalt  }
0x4a: {  	_ =	shalt  }
0x4b: {  	_ =	shalt  }
0x4c: {  	_ =	shalt  }
0x4d: {  	_ =	shalt  }
0x4e: {  	_ =	shalt  }
0x4f: {  	_ =	shalt  }
0x50: {  	_ =	shalt  }
0x51: {  	_ =	shalt  }
0x52: {  	_ =	shalt  }
0x53: {  	_ =	shalt  }
0x54: {  	_ =	shalt  }
0x55: {  	_ =	shalt  }
0x56: {  	_ =	shalt  }
0x57: {  	_ =	shalt  }
0x58: {  	_ =	shalt  }
0x59: {  	_ =	shalt  }
0x5a: {  	_ =	shalt  }
0x5b: {  	_ =	shalt  }
0x5c: {  	_ =	shalt  }
0x5d: {  	_ =	shalt  }
0x5e: {  	_ =	shalt  }
0x5f: {  	_ =	shalt  }
0x60: {  	_ =	shalt  }
0x61: {  	_ =	shalt  }
0x62: {  	_ =	shalt  }
0x63: {  	_ =	shalt  }
0x64: {  	_ =	shalt  }
0x65: {  	_ =	shalt  }
0x66: {  	_ =	shalt  }
0x67: {  	_ =	shalt  }
0x68: {  	_ =	shalt  }
0x69: {  	_ =	shalt  }
0x6a: {  	_ =	shalt  }
0x6b: {  	_ =	shalt  }
0x6c: {  	_ =	shalt  }
0x6d: {  	_ =	shalt  }
0x6e: {  	_ =	shalt  }
0x6f: {  	_ =	shalt  }
0x70: {  	_ =	shalt  }
0x71: {  	_ =	shalt  }
0x72: {  	_ =	shalt  }
0x73: {  	_ =	shalt  }
0x74: {  	_ =	shalt  }
0x75: {  	_ =	shalt  }
0x76: {  	_ =	shalt  }
0x77: {  	_ =	shalt  }
0x78: {  	_ =	shalt  }
0x79: {  	_ =	shalt  }
0x7a: {  	_ =	shalt  }
0x7b: {  	_ =	shalt  }
0x7c: {  	_ =	shalt  }
0x7d: {  	_ =	shalt  }
0x7e: {  	_ =	shalt  }
0x7f: {  	_ =	shalt  }
0x80: {  	_ =	shalt  }
0x81: {  	_ =	shalt  }
0x82: {  	_ =	shalt  }
0x83: {  	_ =	shalt  }
0x84: {  	_ =	shalt  }
0x85: {  	_ =	shalt  }
0x86: {  	_ =	shalt  }
0x87: {  	_ =	shalt  }
.Lfunc_end0:
.L_simem_size_0:
called_computation_lowered:
.L_overlay_start_0:
0x88: {  	s0 =	sld [smem:$0x3FD9]  }
0x89: {  	s1 =	sld [smem:$0x3FFE];
	_ =	sdelay $0x3  }
0x8a: {  	s0 =	sadd.s32 s1, s0  }
0x8b: {  	[smem:$0x3FC6] =	sst s0  }
0x8c: {  	_ = 	snop  }
0x8d: {  	s0 =	sld [smem:$0x3FC9]  }
0x8e: {  	s17 =	sld [smem:$0x3FC8]  }
0x8f: {  	s2 =	sld [smem:$0x3FD0];
	(tm) =	ssettm $0x1  }
0x90: {  	s3 =	sld [smem:$0x3FFB];
	_ =	sdelay $0x3  }
0x91: {  	_ =	strace s3  }
0x92: {  	s3 =	sld [smem:$0x3FFC];
	_ =	sdelay $0x3  }
0x93: {  	_ =	strace s3  }
0x94: {  	s3 =	sld [smem:$0x3FFD];
	_ =	sdelay $0x3  }
0x95: {  	_ =	strace s3  }
0x96: {  	_ =	strace $0x8FFFFFFF  }
0x97: {  	s18 =	sld [smem:$0x3FDB];
	_ =	sdelay $0x1  }
0x98: {  	s4 =	simm.s32 $_scs_section_size  }
0x99: {  	s5 =	simm.s32 $_size__tile_overlayer_lowered;
	s6 =	simm.s32 $_tile_overlayer_lowered  }
0x9a: {  	s21 =	simm.s32 $0x1BFF;
	s20 =	sshll.u32 s6, $0x1;
	s3 =	sadd.s32 s4, s18  }
0x9b: {  	s7 =	simm.s32 $0x0;
	s19 =	sshll.u32 s5, $0x1;
	s5 =	sadd.s32 s20, s3  }
0x9c: {  	[timem:s7], [sflag:s21] =	dma.local [hbm:s5], s19  }
0x9d: {  	_ =	swait.ge [sflag:s21], s19  }
0x9e: {  	s4 =	ssub.s32 $0x0, s19;
	[sflag:s21] =	ssyncset.done $0x0  }
0x9f: {  	[sflag:s21] =	ssyncadd.s32 s4;
	_ =	sdelay $0x1  }
0xa0: {  	s22 =	simm.s32 $0x1B8B  }
0xa1: {  	_ =	swait.ge [sflag:s22], $0x1  }
0xa2: {  	[sflag:s22] =	ssyncset.done $0x0  }
0xa3: {  	s23 =	simm.s32 $0x1B8E;
	[sflag:s22] =	ssyncadd.s32 $0xFFFFFFFF  }
0xa4: {  	s24 =	simm.s32 $execute0_lowered;
	[smem:$0x3FD2] =	sst s23  }
0xa5: {  	s4 =	sshll.u32 s24, $0x1;
	_ =	strace $0x80000046;
	[dreg:$0x1] =	wrdreg $0xFFFFFFFF  }
0xa6: {  	s25 =	simm.s32 $_size_execute0_lowered;
	s3 =	sadd.s32 s3, s4;
	[dreg:$0x0] =	wrdreg $0x0  }
0xa7: {  	s4 =	sshll.u32 s25, $0x1;
	[dreg:$0x2] =	wrdreg s3  }
0xa8: {  	[dreg:$0x3] =	wrdreg s4  }
0xa9: {  	[dreg:$0x4] =	wrdreg $0xC0  }
0xaa: {  	_ =	task [dreg:s7], $0x5FFFF  }
0xab: {  	[dreg:$0x1] =	wrdreg $0xFFFFFFFF  }
0xac: {  	[dreg:$0x0] =	wrdreg $0x60  }
0xad: {  	[dreg:$0x2] =	wrdreg s0  }
0xae: {  	[dreg:$0x3] =	wrdreg s17  }
0xaf: {  	[dreg:$0x4] =	wrdreg s2  }
0xb0: {  	[dreg:$0x5] =	wrdreg $0x9  }
0xb1: {  	_ =	task.clear_ibuf [dreg:s7], $0x6FFFF;
	_ =	strace $0x90000046  }
0xb2: {  	s26 =	simm.s32 $0x9;
	_ =	strace $0x80000048  }
0xb3: {  	_ =	swait.ge [sflag:s26], $0x1  }
0xb4: {  	[sflag:s26] =	ssyncadd.s32 $0xFFFFFFFF  }
0xb5: {  	_ =	strace $0x90000048  }
0xb6: {  	_ =	sfence  }
0xb7: {  	s28 =	sld [smem:$0x0];
	_ =	sdelay $0x1  }
0xb8: {  	s29 =	srdreg.scid  }
0xb9: {  	s30 =	sshll.u32 s29, $0xD;
	s31 =	sshrl.u32 s29, $0x2  }
0xba: {  	s1 =	sand.u32 $0x1, s29;
	s2 =	sand.u32 $0x4000, s30;
	s0 =	sadd.s32 s31, s28  }
0xbb: {  	s1 =	sor.u32 s2, s1;
	s0 =	sshll.u32 s0, $0x11  }
0xbc: {  	s0 =	sor.u32 s0, s1  }
0xbd: {  	s0 =	sadd.s32 $0x8F2B, s0  }
0xbe: {  	[sflag:s0] =	ssyncadd.remote.s32 $0x1  }
0xbf: {  	_ =	sfence.sel $0xFFFF  }
0xc0: {  	[dreg:$0x0] =	wrdreg $0xFFFFFFFF;
	(pc) =	sbr.abs _section_cstart, $3  }
0xc1: {  	[dreg:$0x1] =	wrdreg $0xFFFFFFFF  }
0xc2: {  	_ =	task.clear_ibuf [dreg:s7], $0x2FFFF;
	_ =	strace $0x9FFFFFFF  }
0xc3: {  	(tm) =	ssettm $0x7FFFFFFF  }
tec
execute0_lowered:
.L_overlay_start_1:
0x0: {  	(tag) =	ssettag $0x1  }
0x1: {  	s1 =	stileid.u32  }
0x2: {  	p0 =	sgt.u32 s1, $0x3  }
.Ltmp0:
0x3: {  	s2 =	rddreg [dreg:$0x0];
	(pc) =	sbr.rel @p0 .LBB2_4-.Ltmp0, $4  }
0x4: {  	s4 =	rddreg [dreg:$0x1]  }
0x5: {  	s3 =	rddreg [dreg:$0x2];
	s5 =	simm.s32 $0x0  }
0x6: {  	[smem:$0x7FF] =	sst s5  }
0x7: {  	s0 =	rddreg [dreg:$0x3];
	_ =	strace $0x80000047  }
0x8: {  	s6 =	sshll.u32 s1, $0x15  }
0x9: {  	s7 =	sshll.u32 s1, $0x4;
	s8 =	simm.s32 $0x80;
	s6 =	sadd.s32 s6, s2  }
0xa: {  	s9 =	simm.s32 $0x400;
	s10 =	simm.s32 $0x2000;
	s6 =	sadd.s32 $0x1FF870, s6  }
0xb: {  	[tilespmem:s10], [sflag:$0x2] =	stream.strided.gather [hbm4b:s6+s8], $0x800, s9, s8, $0x38;
	[tilespmem:$0x2800] =	vst v63  }
0xc: {  	s25 =	simm.s32 $0x200;
	s26 =	simm.s32 $0x2;
	s4 =	sadd.s32 s4, s7  }
0xd: {  	[tilespmem:s5], [sflag:$0x1] =	stream.strided.gather [hbm4b:s4+s8], $0x2000, s25, s8, $0x38;
	[tilespmem:$0x2800] =	vst v63  }
0xe: {  	_ =	swait.ge [sflag:s26], $0x800  }
0xf: {  	s28 =	sshll.u32 s1, $0x8;
	[sflag:s26] =	ssyncset.done $0x0  }
0x10: {  	s29 =	simm.s32 $0x1;
	s3 =	sadd.s32 s3, s28;
	[sflag:s26] =	ssyncadd.s32 $0xFFFFF800  }
0x11: {  	[hbm4b:s3+s5] =	stream.linear.scatter [tilespmem:s10], [sflag:$0x2], $0x800, $0x38;
	[tilespmem:$0x2800] =	vst v63  }
0x12: {  	_ =	swait.ge [sflag:s29], $0x2000  }
0x13: {  	[sflag:s29] =	ssyncset.done $0x0  }
0x14: {  	s30 =	simm.s32 $0x20;
	[sflag:s29] =	ssyncadd.s32 $0xFFFFE000  }
0x15: {  	v0 =	vld [tilespmem:s30+$0xFFFFFFE0];
	_ =	sdelay $0x1  }
0x16: {  	v3 =	vld [tilespmem:s30+$0xFFFFFFF0];
	_ =	sdelay $0x1  }
0x17: {  	v2 =	vimm.s32 $0x80000000;
	v1 =	vld [tilespmem:s30+$0x0]  }
0x18: {  	vm0 =	vgt.s32 v0, v2  }
0x19: {  	v4 =	vimm.s32 $0x0;
	v5 =	vsel vm0, v0, v2;
	v0 =	vld [tilespmem:s30+$0x10]  }
0x1a: {  	s31 =	simm.s32 $0x1;
	s7 =	simm.s32 $0x60;
	v6 =	vsel vm0, s5, v4;
	vm15 =	vgt.s32 v3, v5  }
0x1b: {  	s6 =	simm.s32 $0x4;
	s4 =	sshll.u32 s1, $0x18;
	s8 =	simm.s32 $0x8;
	v2 =	vld [tilespmem:s7+$0xFFFFFFE0];
	v4 =	vsel vm15, v3, v5;
	v3 =	vsel vm15, s31, v6  }
.LBB2_2:
0x1c: {  	p0 =	sne.s32 s8, $0x1FC;
	s9 =	sadd.s32 $0x2, s5;
	vm0 =	vgt.s32 v1, v4  }
0x1d: {  	v5 =	vld [tilespmem:s7+$0xFFFFFFF0];
	v4 =	vsel vm0, v1, v4;
	v3 =	vsel vm0, s9, v3  }
0x1e: {  	s9 =	sadd.s32 $0x3, s5;
	s5 =	smov.u32 s6;
	s6 =	smov.u32 s8;
	vm0 =	vgt.s32 v0, v4  }
.Ltmp1:
0x1f: {  	v1 =	vld [tilespmem:s7+$0x0];
	v0 =	vsel vm0, v0, v4;
	v3 =	vsel vm0, s9, v3;
	(pc) =	sbr.rel @p0 .LBB2_2-.Ltmp1, $4  }
0x20: {  	vm0 =	vgt.s32 v2, v0  }
0x21: {  	v4 =	vsel vm0, v2, v0;
	v3 =	vsel vm0, s5, v3;
	v0 =	vld [tilespmem:s7+$0x10]  }
0x22: {  	s9 =	sadd.s32 $0x1, s5;
	s7 =	sadd.s32 $0x40, s7;
	vm0 =	vgt.s32 v5, v4  }
0x23: {  	s8 =	sadd.s32 $0x4, s8;
	v2 =	vld [tilespmem:s7+$0xFFFFFFE0];
	v4 =	vsel vm0, v5, v4;
	v3 =	vsel vm0, s9, v3  }
0x24: {  	vm0 =	vgt.s32 v1, v4  }
0x25: {  	v5 =	vld [tilespmem:s7+$0xFFFFFFF0];
	v1 =	vsel vm0, v1, v4  }
0x26: {  	vm1 =	vgt.s32 v0, v1  }
0x27: {  	v43 =	vld [tilespmem:s7+$0x0];
	v0 =	vsel vm1, v0, v1  }
0x28: {  	v46 =	vimm.s32 $0xFEDCBA98;
	vm2 =	vgt.s32 v2, v0  }
0x29: {  	s8 =	sadd.s32 $0x2, s5;
	v45 =	vld [tilespmem:s7+$0x10];
	v47 =	vimm.s32 $0x76543210;
	v50 =	vlaneseq.u32;
	v0 =	vsel vm2, v2, v0  }
0x2a: {  	s26 =	sadd.s32 $0x3, s5;
	v51 =	vimm.s32 $0xBA98FEDC;
	v44 =	vsel vm0, s8, v3;
	vm13 =	vgt.s32 v5, v0  }
0x2b: {  	v3 =	vunpack.c.l.s4.s8 v46;
	v1 =	vsel vm1, s26, v44;
	v0 =	vsel vm13, v5, v0  }
0x2c: {  	s28 =	sadd.s32 $0x1, s6;
	v48 =	vunpack.c.l.s4.s8 v47;
	v1 =	vsel vm2, s6, v1;
	vm14 =	vgt.s32 v43, v0  }
0x2d: {  	s29 =	sadd.s32 $0x2, s6;
	v3 =	vunpack.c.0.s8.s32 v3;
	v1 =	vsel vm13, s28, v1;
	v0 =	vsel vm14, v43, v0  }
0x2e: {  	s30 =	sadd.s32 $0x3, s6;
	v49 =	vunpack.c.0.s8.s32 v48;
	v1 =	vsel vm14, s29, v1;
	vm15 =	vgt.s32 v45, v0  }
0x2f: {  	v52 =	vimm.s32 $0x32107654;
	v3 =	vand.u32 $0xF, v3;
	v1 =	vsel vm15, s30, v1  }
0x30: {  	v53 =	vunpack.c.l.s4.s8 v52;
	v2 =	vcombine.low v3, v49;
	v1 =	vshll.u32 v1, $0x4  }
0x31: {  	v3 =	vunpack.c.l.s4.s8 v51;
	v0 =	vsel vm15, v45, v0;
	v1 =	vor.u32 v50, v1  }
0x32: {  	v56 =	vimm.s32 $0xDCFE98BA;
	v54 =	vperm.xlane v0, v2;
	v2 =	vperm.xlane v1, v2  }
0x33: {  	v57 =	vimm.s32 $0x54761032;
	v4 =	vunpack.c.0.s8.s32 v53;
	v3 =	vunpack.c.0.s8.s32 v3  }
0x34: {  	v5 =	vunpack.c.l.s4.s8 v57;
	vm4 =	veq.s32 v54, v0;
	vm5 =	vlt.s32 v2, v1  }
0x35: {  	v3 =	vcombine.low v4, v3;
	vm6 =	vgt.s32 v54, v0;
	vm0 =	vmand vm4, vm5  }
0x36: {  	v5 =	vunpack.c.0.s8.s32 v5;
	v4 =	vunpack.c.l.s4.s8 v56;
	vm0 =	vmor vm6, vm0  }
0x37: {  	v3 =	vand.u32 $0xF, v3;
	v0 =	vsel vm0, v54, v0;
	v1 =	vsel vm0, v2, v1  }
0x38: {  	v4 =	vunpack.c.0.s8.s32 v4;
	v55 =	vperm.xlane v0, v3;
	v3 =	vperm.xlane v1, v3  }
0x39: {  	v59 =	vimm.s32 $0xEFCDAB89  }
0x3a: {  	v58 =	vcombine.low v5, v4;
	vm7 =	veq.s32 v55, v0;
	vm8 =	vlt.s32 v3, v1  }
0x3b: {  	v60 =	vimm.s32 $0x67452301;
	vm9 =	vgt.s32 v55, v0;
	vm0 =	vmand vm7, vm8  }
0x3c: {  	v4 =	vunpack.c.l.s4.s8 v60;
	v2 =	vand.u32 $0xF, v58;
	vm0 =	vmor vm9, vm0  }
0x3d: {  	v0 =	vsel vm0, v55, v0;
	v1 =	vsel vm0, v3, v1;
	v3 =	vunpack.c.l.s4.s8 v59  }
0x3e: {  	v61 =	vperm.xlane v0, v2;
	v2 =	vperm.xlane v1, v2  }
0x3f: {  	v4 =	vunpack.c.0.s8.s32 v4;
	v3 =	vunpack.c.0.s8.s32 v3  }
0x40: {  	vm10 =	veq.s32 v61, v0;
	vm11 =	vlt.s32 v2, v1  }
0x41: {  	vm12 =	vgt.s32 v61, v0;
	vm0 =	vmand vm10, vm11;
	v3 =	vcombine.low v4, v3  }
0x42: {  	vm0 =	vmor vm12, vm0  }
0x43: {  	v0 =	vsel vm0, v61, v0;
	v1 =	vsel vm0, v2, v1;
	v62 =	vand.u32 $0xF, v3  }
0x44: {  	v3 =	vperm.xlane v0, v62;
	v2 =	vperm.xlane v1, v62;
	_ =	sdelay $0x1  }
0x45: {  	vm13 =	veq.s32 v3, v0;
	vm14 =	vlt.s32 v2, v1  }
0x46: {  	vm15 =	vgt.s32 v3, v0;
	vm0 =	vmand vm13, vm14  }
0x47: {  	vm0 =	vmor vm15, vm0  }
0x48: {  	v63 =	vsel vm0, v2, v1  }
0x49: {  	(v2sf) =	vpush v63, $0x0;
	_ =	sdelay $0xe  }
0x4a: {  	s5 =	spop (v2sf)  }
0x4b: {  	p0 =	seq.s32 s5, $0x1FFF  }
0x4c: {  	s31 =	simm.s32 $0x2;
	s6 =	sshll.u32 @!p0 s5, $0xB  }
0x4d: {  	_ =	swait.ge [sflag:s31], $0x800;
	s5 =	sshll.u32 @!p0 s5, $0x7;
	s6 =	sand.u32 @!p0 $0xFFFFC000, s6  }
0x4e: {  	[sflag:s31] =	ssyncset.done $0x0;
	s5 =	sand.u32 @!p0 $0x380, s5;
	s4 =	sadd.s32 @!p0 s4, s6  }
0x4f: {  	s7 =	simm.s32 @!p0 $0x80;
	[sflag:s31] =	ssyncadd.s32 $0xFFFFF800;
	s4 =	sor.u32 @!p0 s5, s4  }
0x50: {  	s6 =	simm.s32 @!p0 $0x10;
	s5 =	sshll.u32 @!p0 s1, $0x6;
	s4 =	sshrl.u32 @!p0 s4, $0x3  }
0x51: {  	s2 =	sadd.s32 @!p0 s2, s4;
	s4 =	sor.u32 @!p0 $0x1C03, s5;
	s5 =	simm.s32 @!p0 $0x1  }
0x52: {  	[hbm:s3@s6], [sflag:s4] =	dma.strided @!p0 [hbm:s2@s7], $0x100, s5, $0x10   }
0x53: {  	s2 =	simm.s32 @!p0 $0x3  }
0x54: {  	_ =	swait.ge @!p0 [sflag:s2], $0x100  }
0x55: {  	[sflag:s2] =	ssyncset.done @!p0 $0x0  }
0x56: {  	[sflag:s2] =	ssyncadd.s32 @!p0 $0xFFFFFF00  }
.LBB2_4:
0x57: {  	_ =	sfence.sel $0x180000  }
0x58: {  	[bflag:$0x0] =	sbarrier.arrive $0xFFFF  }
0x59: {  	p0 =	sne.s32 s1, $0x0;
	_ =	strace $0x90000047  }
0x5a: {  	s0 =	sadd.s32 @!p0 $0x100000, s0;
	[bflag:$0x2] =	sbarrier.arrive $0xFFFF  }
0x5b: {  	[sflag:s0] =	ssyncadd.tile.s32 @!p0 $0x1;
	_ =	shalt  }
.Lfunc_end2:
_tile_overlayer_lowered:
.L_overlay_start_2:
0x5c: {  	(tag) =	ssettag $0x2  }
0x5d: {  	s0 =	rddreg [dreg:$0x0];
	s2 =	stileid.u32  }
0x5e: {  	s1 =	rddreg [dreg:$0x1];
	p0 =	sne.s32 s2, $0x0  }
0x5f: {  	s3 =	rddreg [dreg:$0x2];
	[bflag:$0x3] =	sbarrier.arrive $0xFFFF;
	s2 =	simm.s32 @!p0 $0x1C03  }
0x60: {  	[timem:s3], [sflag:s2] =	dma.local @!p0 [hbm:s0], s1  }
0x61: {  	s0 =	simm.s32 @!p0 $0x3  }
0x62: {  	_ =	swait.ge @!p0 [sflag:s0], s1  }
0x63: {  	s1 =	ssub.s32 @!p0 $0x0, s1;
	[sflag:s0] =	ssyncset.done @!p0 $0x0  }
0x64: {  	[sflag:s0] =	ssyncadd.s32 @!p0 s1  }
0x65: {  	[bflag:$0x3] =	sbarrier.arrive $0xFFFF  }
0x66: {  	_ =	shalt  }

</sc_bundles>
